<compile_context>
chip_gen: v7x
topology: tpu7x:2x2x1
jax: 0.10.2.dev20260603
libtpu: 0.0.44.dev20260713+nightly
codegen_flags: <defaults>
</compile_context>

<pallas_src>
import functools

import jax
import jax.numpy as jnp
from jax import lax
from jax.experimental import pallas as pl
from jax.experimental.pallas import tpu as pltpu
from jax.experimental.pallas import tpu_sc as plsc

BATCH = 16384
D = 20
ROWS = 9

_info = plsc.get_sparse_core_info()
_NC, _NS, _L = _info.num_cores, _info.num_subcores, _info.num_lanes
_NW = _NC * _NS
_BPW = BATCH // _NW
_GROUPS = _BPW // _L

_mesh = plsc.VectorSubcoreMesh(core_axis_name="c", subcore_axis_name="s")


@functools.partial(
    pl.kernel,
    mesh=_mesh,
    out_type=jax.ShapeDtypeStruct((D, BATCH), jnp.float32),
    scratch_types=[
        pltpu.VMEM((_BPW,), jnp.int32),
        pltpu.VMEM((ROWS, D), jnp.float32),
        pltpu.VMEM((D, _BPW), jnp.float32),
        pltpu.SemaphoreType.DMA,
        pltpu.SemaphoreType.DMA,
    ],
    compiler_params=pltpu.CompilerParams(
        needs_layout_passes=False, skip_device_barrier=True
    ),
)
def _sc_lookup(lengths_hbm, table_hbm, out_hbm, len_v, tab_v, out_v, sem1, sem2):
    wid = lax.axis_index("s") * _NC + lax.axis_index("c")
    base = wid * _BPW
    len_cp = pltpu.async_copy(lengths_hbm.at[pl.ds(base, _BPW)], len_v, sem1)
    tab_cp = pltpu.async_copy(table_hbm, tab_v, sem2)
    iota = lax.iota(jnp.int32, _L)

    tab_cp.wait()
    iota_c = jnp.minimum(iota, jnp.full((_L,), ROWS - 1, jnp.int32))
    cols = [
        plsc.load_gather(tab_v, [iota_c, jnp.full((_L,), d, jnp.int32)])
        for d in range(D)
    ]
    len_cp.wait()

    @plsc.parallel_loop(0, _GROUPS, 1, unroll=1)
    def group(g):
        l = len_v[pl.ds(g * _L, _L)]
        lm1 = l - jnp.full((_L,), 1, jnp.int32)
        lo = jnp.minimum(
            jnp.maximum(lm1, jnp.zeros((_L,), jnp.int32)),
            jnp.full((_L,), 3, jnp.int32),
        )
        ebits = lax.shift_right_logical(
            lax.bitcast_convert_type(lm1.astype(jnp.float32), jnp.int32),
            jnp.full((_L,), 23, jnp.int32),
        )
        hi = jnp.minimum(
            ebits - jnp.full((_L,), 125, jnp.int32),
            jnp.full((_L,), 8, jnp.int32),
        )
        idx = jnp.where(l > jnp.full((_L,), 4, jnp.int32), hi, lo)
        for d in range(D):
            out_v[d, pl.ds(g * _L, _L)] = jnp.take_along_axis(
                cols[d], idx, axis=0, mode="promise_in_bounds"
            )

    pltpu.sync_copy(out_v, out_hbm.at[:, pl.ds(base, _BPW)])


def kernel(lengths, table):
    return _sc_lookup(lengths, table).T

# --- scband reference (transcript-rebuilt; emitter-appended) ---
"""Pipeline reference for scband-distance-45835890983233 (READ-ONLY COPY).

The authoritative reference and input builder live on the scoring server;
editing this copy changes nothing except your own understanding.
"""

import jax, jax.numpy as jnp
import numpy as np

BATCH = 16384
DISTANCE_DIM = 20
BINS = jnp.array([1, 2, 3, 4, 8, 16, 32, 64], dtype=jnp.int32)


def setup_inputs(seed: int = 0) -> dict:
    key = jax.random.key(seed)
    k1, k2 = jax.random.split(key)
    lengths = jax.random.randint(k1, (BATCH,), 0, 200, dtype=jnp.int32)
    # nn.Embedding(len(bins)+1, distance_dim) weight, N(0,1) init like torch default
    table = jax.random.normal(k2, (BINS.shape[0] + 1, DISTANCE_DIM), dtype=jnp.float32)
    return {"lengths": lengths, "table": table}


def reference(lengths, table):
    # lengths.reshape(B, -1) -> [B, 1]; broadcast compare against bins [8] -> [B, 8]
    l = lengths.reshape(lengths.shape[0], -1)
    distance_bins = jnp.sum((l > BINS).astype(jnp.int32), axis=-1)
    # Dropout(0.2) is identity in eval mode
    return jnp.take(table, distance_bins, axis=0)

if __name__ == "__main__":
    import jax
    _d = setup_inputs()
    print(jax.jit(kernel)(*tuple(_d.values())))

</pallas_src>

<mosaic_0001>
#map = affine_map<(d0, d1) -> (0)>
#map1 = affine_map<(d0, d1) -> (0, 0)>
module attributes {stable_mosaic.version = 14 : i64} {
  func.func @_sc_lookup(%arg0: i32, %arg1: i32, %arg2: memref<16384xi32, #tpu.memory_space<hbm>>, %arg3: memref<9x20xf32, #tpu.memory_space<hbm>>, %arg4: memref<20x16384xf32, #tpu.memory_space<hbm>>, %arg5: memref<512xi32, #tpu.memory_space<vmem>>, %arg6: memref<9x20xf32, #tpu.memory_space<vmem>>, %arg7: memref<20x512xf32, #tpu.memory_space<vmem>>, %arg8: memref<!tpu.dma_semaphore, #tpu.memory_space<semaphore_mem>>, %arg9: memref<!tpu.dma_semaphore, #tpu.memory_space<semaphore_mem>>) attributes {dimension_semantics = [#tpu.dimension_semantics<core_parallel>, #tpu.dimension_semantics<subcore_parallel>], iteration_bounds = array<i64: 2, 16>, scalar_prefetch = 0 : i64, scratch_operands = 5 : i64, tpu.core_type = #tpu.core_type<sc_vector_subcore>, window_params = [{transform_indices = #map}, {transform_indices = #map1}, {transform_indices = #map1}]} {
    %mul3A = arith.constant 2 : i32
    %mul3A_0 = arith.muli %arg1, %mul3A : i32
    %add3A = arith.addi %mul3A_0, %arg0 : i32
    %mul3A_1 = arith.constant 512 : i32
    %mul3A_2 = arith.muli %add3A, %mul3A_1 : i32
    %dma_start3A = tpu.memref_slice %arg2[%mul3A_2] : memref<16384xi32, #tpu.memory_space<hbm>> -> memref<512xi32, #tpu.memory_space<hbm>>
    %dma_start3A_3 = tpu.memref_slice %arg2[%mul3A_2] : memref<16384xi32, #tpu.memory_space<hbm>> -> memref<512xi32, #tpu.memory_space<hbm>>
    tpu.enqueue_dma source(%dma_start3A_3 : memref<512xi32, #tpu.memory_space<hbm>>) target(%arg5 : memref<512xi32, #tpu.memory_space<vmem>>) target_semaphore(%arg8 : memref<!tpu.dma_semaphore, #tpu.memory_space<semaphore_mem>>)
    tpu.enqueue_dma source(%arg3 : memref<9x20xf32, #tpu.memory_space<hbm>>) target(%arg6 : memref<9x20xf32, #tpu.memory_space<vmem>>) target_semaphore(%arg9 : memref<!tpu.dma_semaphore, #tpu.memory_space<semaphore_mem>>)
    %iota3A = tpu.iota {dimensions = array<i32: 0>} : vector<16xi32>
    tpu.wait_dma2 semaphore(%arg9 : memref<!tpu.dma_semaphore, #tpu.memory_space<semaphore_mem>>) src(%arg3 : memref<9x20xf32, #tpu.memory_space<hbm>>) dst(%arg6 : memref<9x20xf32, #tpu.memory_space<vmem>>)
    %broadcast_in_dim3A = arith.constant 8 : i32
    %broadcast_in_dim3A_4 = vector.broadcast %broadcast_in_dim3A : i32 to vector<16xi32>
    %min3A = arith.minsi %iota3A, %broadcast_in_dim3A_4 : vector<16xi32>
    %broadcast_in_dim3A_5 = arith.constant 0 : i32
    %broadcast_in_dim3A_6 = vector.broadcast %broadcast_in_dim3A_5 : i32 to vector<16xi32>
    %gather3A = tpu.vector_load_idx %arg6[%min3A, %broadcast_in_dim3A_6] : memref<9x20xf32, #tpu.memory_space<vmem>>[vector<16xi32>, vector<16xi32>], vector<16xf32>,
    %broadcast_in_dim3A_7 = arith.constant 1 : i32
    %broadcast_in_dim3A_8 = vector.broadcast %broadcast_in_dim3A_7 : i32 to vector<16xi32>
    %gather3A_9 = tpu.vector_load_idx %arg6[%min3A, %broadcast_in_dim3A_8] : memref<9x20xf32, #tpu.memory_space<vmem>>[vector<16xi32>, vector<16xi32>], vector<16xf32>,
    %broadcast_in_dim3A_10 = arith.constant 2 : i32
    %broadcast_in_dim3A_11 = vector.broadcast %broadcast_in_dim3A_10 : i32 to vector<16xi32>
    %gather3A_12 = tpu.vector_load_idx %arg6[%min3A, %broadcast_in_dim3A_11] : memref<9x20xf32, #tpu.memory_space<vmem>>[vector<16xi32>, vector<16xi32>], vector<16xf32>,
    %broadcast_in_dim3A_13 = arith.constant 3 : i32
    %broadcast_in_dim3A_14 = vector.broadcast %broadcast_in_dim3A_13 : i32 to vector<16xi32>
    %gather3A_15 = tpu.vector_load_idx %arg6[%min3A, %broadcast_in_dim3A_14] : memref<9x20xf32, #tpu.memory_space<vmem>>[vector<16xi32>, vector<16xi32>], vector<16xf32>,
    %broadcast_in_dim3A_16 = arith.constant 4 : i32
    %broadcast_in_dim3A_17 = vector.broadcast %broadcast_in_dim3A_16 : i32 to vector<16xi32>
    %gather3A_18 = tpu.vector_load_idx %arg6[%min3A, %broadcast_in_dim3A_17] : memref<9x20xf32, #tpu.memory_space<vmem>>[vector<16xi32>, vector<16xi32>], vector<16xf32>,
    %broadcast_in_dim3A_19 = arith.constant 5 : i32
    %broadcast_in_dim3A_20 = vector.broadcast %broadcast_in_dim3A_19 : i32 to vector<16xi32>
    %gather3A_21 = tpu.vector_load_idx %arg6[%min3A, %broadcast_in_dim3A_20] : memref<9x20xf32, #tpu.memory_space<vmem>>[vector<16xi32>, vector<16xi32>], vector<16xf32>,
    %broadcast_in_dim3A_22 = arith.constant 6 : i32
    %broadcast_in_dim3A_23 = vector.broadcast %broadcast_in_dim3A_22 : i32 to vector<16xi32>
    %gather3A_24 = tpu.vector_load_idx %arg6[%min3A, %broadcast_in_dim3A_23] : memref<9x20xf32, #tpu.memory_space<vmem>>[vector<16xi32>, vector<16xi32>], vector<16xf32>,
    %broadcast_in_dim3A_25 = arith.constant 7 : i32
    %broadcast_in_dim3A_26 = vector.broadcast %broadcast_in_dim3A_25 : i32 to vector<16xi32>
    %gather3A_27 = tpu.vector_load_idx %arg6[%min3A, %broadcast_in_dim3A_26] : memref<9x20xf32, #tpu.memory_space<vmem>>[vector<16xi32>, vector<16xi32>], vector<16xf32>,
    %broadcast_in_dim3A_28 = arith.constant 8 : i32
    %broadcast_in_dim3A_29 = vector.broadcast %broadcast_in_dim3A_28 : i32 to vector<16xi32>
    %gather3A_30 = tpu.vector_load_idx %arg6[%min3A, %broadcast_in_dim3A_29] : memref<9x20xf32, #tpu.memory_space<vmem>>[vector<16xi32>, vector<16xi32>], vector<16xf32>,
    %broadcast_in_dim3A_31 = arith.constant 9 : i32
    %broadcast_in_dim3A_32 = vector.broadcast %broadcast_in_dim3A_31 : i32 to vector<16xi32>
    %gather3A_33 = tpu.vector_load_idx %arg6[%min3A, %broadcast_in_dim3A_32] : memref<9x20xf32, #tpu.memory_space<vmem>>[vector<16xi32>, vector<16xi32>], vector<16xf32>,
    %broadcast_in_dim3A_34 = arith.constant 10 : i32
    %broadcast_in_dim3A_35 = vector.broadcast %broadcast_in_dim3A_34 : i32 to vector<16xi32>
    %gather3A_36 = tpu.vector_load_idx %arg6[%min3A, %broadcast_in_dim3A_35] : memref<9x20xf32, #tpu.memory_space<vmem>>[vector<16xi32>, vector<16xi32>], vector<16xf32>,
    %broadcast_in_dim3A_37 = arith.constant 11 : i32
    %broadcast_in_dim3A_38 = vector.broadcast %broadcast_in_dim3A_37 : i32 to vector<16xi32>
    %gather3A_39 = tpu.vector_load_idx %arg6[%min3A, %broadcast_in_dim3A_38] : memref<9x20xf32, #tpu.memory_space<vmem>>[vector<16xi32>, vector<16xi32>], vector<16xf32>,
    %broadcast_in_dim3A_40 = arith.constant 12 : i32
    %broadcast_in_dim3A_41 = vector.broadcast %broadcast_in_dim3A_40 : i32 to vector<16xi32>
    %gather3A_42 = tpu.vector_load_idx %arg6[%min3A, %broadcast_in_dim3A_41] : memref<9x20xf32, #tpu.memory_space<vmem>>[vector<16xi32>, vector<16xi32>], vector<16xf32>,
    %broadcast_in_dim3A_43 = arith.constant 13 : i32
    %broadcast_in_dim3A_44 = vector.broadcast %broadcast_in_dim3A_43 : i32 to vector<16xi32>
    %gather3A_45 = tpu.vector_load_idx %arg6[%min3A, %broadcast_in_dim3A_44] : memref<9x20xf32, #tpu.memory_space<vmem>>[vector<16xi32>, vector<16xi32>], vector<16xf32>,
    %broadcast_in_dim3A_46 = arith.constant 14 : i32
    %broadcast_in_dim3A_47 = vector.broadcast %broadcast_in_dim3A_46 : i32 to vector<16xi32>
    %gather3A_48 = tpu.vector_load_idx %arg6[%min3A, %broadcast_in_dim3A_47] : memref<9x20xf32, #tpu.memory_space<vmem>>[vector<16xi32>, vector<16xi32>], vector<16xf32>,
    %broadcast_in_dim3A_49 = arith.constant 15 : i32
    %broadcast_in_dim3A_50 = vector.broadcast %broadcast_in_dim3A_49 : i32 to vector<16xi32>
    %gather3A_51 = tpu.vector_load_idx %arg6[%min3A, %broadcast_in_dim3A_50] : memref<9x20xf32, #tpu.memory_space<vmem>>[vector<16xi32>, vector<16xi32>], vector<16xf32>,
    %broadcast_in_dim3A_52 = arith.constant 16 : i32
    %broadcast_in_dim3A_53 = vector.broadcast %broadcast_in_dim3A_52 : i32 to vector<16xi32>
    %gather3A_54 = tpu.vector_load_idx %arg6[%min3A, %broadcast_in_dim3A_53] : memref<9x20xf32, #tpu.memory_space<vmem>>[vector<16xi32>, vector<16xi32>], vector<16xf32>,
    %broadcast_in_dim3A_55 = arith.constant 17 : i32
    %broadcast_in_dim3A_56 = vector.broadcast %broadcast_in_dim3A_55 : i32 to vector<16xi32>
    %gather3A_57 = tpu.vector_load_idx %arg6[%min3A, %broadcast_in_dim3A_56] : memref<9x20xf32, #tpu.memory_space<vmem>>[vector<16xi32>, vector<16xi32>], vector<16xf32>,
    %broadcast_in_dim3A_58 = arith.constant 18 : i32
    %broadcast_in_dim3A_59 = vector.broadcast %broadcast_in_dim3A_58 : i32 to vector<16xi32>
    %gather3A_60 = tpu.vector_load_idx %arg6[%min3A, %broadcast_in_dim3A_59] : memref<9x20xf32, #tpu.memory_space<vmem>>[vector<16xi32>, vector<16xi32>], vector<16xf32>,
    %broadcast_in_dim3A_61 = arith.constant 19 : i32
    %broadcast_in_dim3A_62 = vector.broadcast %broadcast_in_dim3A_61 : i32 to vector<16xi32>
    %gather3A_63 = tpu.vector_load_idx %arg6[%min3A, %broadcast_in_dim3A_62] : memref<9x20xf32, #tpu.memory_space<vmem>>[vector<16xi32>, vector<16xi32>], vector<16xf32>,
    %dma_wait3A = tpu.memref_slice %arg2[%mul3A_2] : memref<16384xi32, #tpu.memory_space<hbm>> -> memref<512xi32, #tpu.memory_space<hbm>>
    %dma_wait3A_64 = tpu.memref_slice %arg2[%mul3A_2] : memref<16384xi32, #tpu.memory_space<hbm>> -> memref<512xi32, #tpu.memory_space<hbm>>
    tpu.wait_dma2 semaphore(%arg8 : memref<!tpu.dma_semaphore, #tpu.memory_space<semaphore_mem>>) src(%dma_wait3A_64 : memref<512xi32, #tpu.memory_space<hbm>>) dst(%arg5 : memref<512xi32, #tpu.memory_space<vmem>>)
    %parallel_loop3A = arith.constant 0 : i32
    %parallel_loop3A_65 = arith.constant 32 : i32
    %parallel_loop3A_66 = arith.constant 1 : i32
    scf.for %parallel_loop3A_67 = %parallel_loop3A to %parallel_loop3A_65 step %parallel_loop3A_66  : i32 {
      %parallel_loop3A_68 = arith.constant 16 : i32
      %parallel_loop3A_69 = arith.muli %parallel_loop3A_67, %parallel_loop3A_68 : i32
      %parallel_loop3A_70 = arith.index_cast %parallel_loop3A_69 : i32 to index
      %parallel_loop3A_71 = tpu.vector_load %arg5[%parallel_loop3A_70] {strides = array<i32>} : memref<512xi32, #tpu.memory_space<vmem>>, vector<16xi32>,
      %parallel_loop3A_72 = arith.constant 1 : i32
      %parallel_loop3A_73 = vector.broadcast %parallel_loop3A_72 : i32 to vector<16xi32>
      %parallel_loop3A_74 = arith.subi %parallel_loop3A_71, %parallel_loop3A_73 : vector<16xi32>
      %parallel_loop3A_75 = arith.constant 0 : i32
      %parallel_loop3A_76 = vector.broadcast %parallel_loop3A_75 : i32 to vector<16xi32>
      %parallel_loop3A_77 = arith.maxsi %parallel_loop3A_74, %parallel_loop3A_76 : vector<16xi32>
      %parallel_loop3A_78 = arith.constant 3 : i32
      %parallel_loop3A_79 = vector.broadcast %parallel_loop3A_78 : i32 to vector<16xi32>
      %parallel_loop3A_80 = arith.minsi %parallel_loop3A_77, %parallel_loop3A_79 : vector<16xi32>
      %parallel_loop3A_81 = arith.sitofp %parallel_loop3A_74 : vector<16xi32> to vector<16xf32>
      %parallel_loop3A_82 = tpu.bitcast %parallel_loop3A_81 : vector<16xf32> -> vector<16xi32>
      %parallel_loop3A_83 = arith.constant 23 : i32
      %parallel_loop3A_84 = vector.broadcast %parallel_loop3A_83 : i32 to vector<16xi32>
      %parallel_loop3A_85 = arith.shrui %parallel_loop3A_82, %parallel_loop3A_84 : vector<16xi32>
      %parallel_loop3A_86 = arith.constant 125 : i32
      %parallel_loop3A_87 = vector.broadcast %parallel_loop3A_86 : i32 to vector<16xi32>
      %parallel_loop3A_88 = arith.subi %parallel_loop3A_85, %parallel_loop3A_87 : vector<16xi32>
      %parallel_loop3A_89 = arith.constant 8 : i32
      %parallel_loop3A_90 = vector.broadcast %parallel_loop3A_89 : i32 to vector<16xi32>
      %parallel_loop3A_91 = arith.minsi %parallel_loop3A_88, %parallel_loop3A_90 : vector<16xi32>
      %parallel_loop3A_92 = arith.constant 4 : i32
      %parallel_loop3A_93 = vector.broadcast %parallel_loop3A_92 : i32 to vector<16xi32>
      %parallel_loop3A_94 = arith.cmpi sgt, %parallel_loop3A_71, %parallel_loop3A_93 : vector<16xi32>
      %parallel_loop3A_95 = arith.select %parallel_loop3A_94, %parallel_loop3A_91, %parallel_loop3A_80 : vector<16xi1>, vector<16xi32>
      %parallel_loop3A_96 = vector.shape_cast %parallel_loop3A_95 : vector<16xi32> to vector<16x1xi32>
      %parallel_loop3A_97 = vector.shape_cast %parallel_loop3A_96 : vector<16x1xi32> to vector<16xi32>
      %parallel_loop3A_98 = tpu.dynamic_gather %gather3A[%parallel_loop3A_97] in [0] : vector<16xf32>, vector<16xi32> -> vector<16xf32>
      %parallel_loop3A_99 = arith.constant 16 : i32
      %parallel_loop3A_100 = arith.muli %parallel_loop3A_67, %parallel_loop3A_99 : i32
      %parallel_loop3A_101 = arith.constant 0 : i32
      %parallel_loop3A_102 = arith.index_cast %parallel_loop3A_101 : i32 to index
      %parallel_loop3A_103 = arith.index_cast %parallel_loop3A_100 : i32 to index
      %parallel_loop3A_104 = tpu.vector_load %arg7[%parallel_loop3A_102, %parallel_loop3A_103] {strides = array<i32>} : memref<20x512xf32, #tpu.memory_space<vmem>>, vector<16xf32>,
      tpu.vector_store %arg7[%parallel_loop3A_102, %parallel_loop3A_103], %parallel_loop3A_98 {strides = array<i32>} : memref<20x512xf32, #tpu.memory_space<vmem>>, vector<16xf32>,
      %parallel_loop3A_105 = vector.shape_cast %parallel_loop3A_95 : vector<16xi32> to vector<16x1xi32>
      %parallel_loop3A_106 = vector.shape_cast %parallel_loop3A_105 : vector<16x1xi32> to vector<16xi32>
      %parallel_loop3A_107 = tpu.dynamic_gather %gather3A_9[%parallel_loop3A_106] in [0] : vector<16xf32>, vector<16xi32> -> vector<16xf32>
      %parallel_loop3A_108 = arith.constant 16 : i32
      %parallel_loop3A_109 = arith.muli %parallel_loop3A_67, %parallel_loop3A_108 : i32
      %parallel_loop3A_110 = arith.constant 1 : i32
      %parallel_loop3A_111 = arith.index_cast %parallel_loop3A_110 : i32 to index
      %parallel_loop3A_112 = arith.index_cast %parallel_loop3A_109 : i32 to index
      %parallel_loop3A_113 = tpu.vector_load %arg7[%parallel_loop3A_111, %parallel_loop3A_112] {strides = array<i32>} : memref<20x512xf32, #tpu.memory_space<vmem>>, vector<16xf32>,
      tpu.vector_store %arg7[%parallel_loop3A_111, %parallel_loop3A_112], %parallel_loop3A_107 {strides = array<i32>} : memref<20x512xf32, #tpu.memory_space<vmem>>, vector<16xf32>,
      %parallel_loop3A_114 = vector.shape_cast %parallel_loop3A_95 : vector<16xi32> to vector<16x1xi32>
      %parallel_loop3A_115 = vector.shape_cast %parallel_loop3A_114 : vector<16x1xi32> to vector<16xi32>
      %parallel_loop3A_116 = tpu.dynamic_gather %gather3A_12[%parallel_loop3A_115] in [0] : vector<16xf32>, vector<16xi32> -> vector<16xf32>
      %parallel_loop3A_117 = arith.constant 16 : i32
      %parallel_loop3A_118 = arith.muli %parallel_loop3A_67, %parallel_loop3A_117 : i32
      %parallel_loop3A_119 = arith.constant 2 : i32
      %parallel_loop3A_120 = arith.index_cast %parallel_loop3A_119 : i32 to index
      %parallel_loop3A_121 = arith.index_cast %parallel_loop3A_118 : i32 to index
      %parallel_loop3A_122 = tpu.vector_load %arg7[%parallel_loop3A_120, %parallel_loop3A_121] {strides = array<i32>} : memref<20x512xf32, #tpu.memory_space<vmem>>, vector<16xf32>,
      tpu.vector_store %arg7[%parallel_loop3A_120, %parallel_loop3A_121], %parallel_loop3A_116 {strides = array<i32>} : memref<20x512xf32, #tpu.memory_space<vmem>>, vector<16xf32>,
      %parallel_loop3A_123 = vector.shape_cast %parallel_loop3A_95 : vector<16xi32> to vector<16x1xi32>
      %parallel_loop3A_124 = vector.shape_cast %parallel_loop3A_123 : vector<16x1xi32> to vector<16xi32>
      %parallel_loop3A_125 = tpu.dynamic_gather %gather3A_15[%parallel_loop3A_124] in [0] : vector<16xf32>, vector<16xi32> -> vector<16xf32>
      %parallel_loop3A_126 = arith.constant 16 : i32
      %parallel_loop3A_127 = arith.muli %parallel_loop3A_67, %parallel_loop3A_126 : i32
      %parallel_loop3A_128 = arith.constant 3 : i32
      %parallel_loop3A_129 = arith.index_cast %parallel_loop3A_128 : i32 to index
      %parallel_loop3A_130 = arith.index_cast %parallel_loop3A_127 : i32 to index
      %parallel_loop3A_131 = tpu.vector_load %arg7[%parallel_loop3A_129, %parallel_loop3A_130] {strides = array<i32>} : memref<20x512xf32, #tpu.memory_space<vmem>>, vector<16xf32>,
      tpu.vector_store %arg7[%parallel_loop3A_129, %parallel_loop3A_130], %parallel_loop3A_125 {strides = array<i32>} : memref<20x512xf32, #tpu.memory_space<vmem>>, vector<16xf32>,
      %parallel_loop3A_132 = vector.shape_cast %parallel_loop3A_95 : vector<16xi32> to vector<16x1xi32>
      %parallel_loop3A_133 = vector.shape_cast %parallel_loop3A_132 : vector<16x1xi32> to vector<16xi32>
      %parallel_loop3A_134 = tpu.dynamic_gather %gather3A_18[%parallel_loop3A_133] in [0] : vector<16xf32>, vector<16xi32> -> vector<16xf32>
      %parallel_loop3A_135 = arith.constant 16 : i32
      %parallel_loop3A_136 = arith.muli %parallel_loop3A_67, %parallel_loop3A_135 : i32
      %parallel_loop3A_137 = arith.constant 4 : i32
      %parallel_loop3A_138 = arith.index_cast %parallel_loop3A_137 : i32 to index
      %parallel_loop3A_139 = arith.index_cast %parallel_loop3A_136 : i32 to index
      %parallel_loop3A_140 = tpu.vector_load %arg7[%parallel_loop3A_138, %parallel_loop3A_139] {strides = array<i32>} : memref<20x512xf32, #tpu.memory_space<vmem>>, vector<16xf32>,
      tpu.vector_store %arg7[%parallel_loop3A_138, %parallel_loop3A_139], %parallel_loop3A_134 {strides = array<i32>} : memref<20x512xf32, #tpu.memory_space<vmem>>, vector<16xf32>,
      %parallel_loop3A_141 = vector.shape_cast %parallel_loop3A_95 : vector<16xi32> to vector<16x1xi32>
      %parallel_loop3A_142 = vector.shape_cast %parallel_loop3A_141 : vector<16x1xi32> to vector<16xi32>
      %parallel_loop3A_143 = tpu.dynamic_gather %gather3A_21[%parallel_loop3A_142] in [0] : vector<16xf32>, vector<16xi32> -> vector<16xf32>
      %parallel_loop3A_144 = arith.constant 16 : i32
      %parallel_loop3A_145 = arith.muli %parallel_loop3A_67, %parallel_loop3A_144 : i32
      %parallel_loop3A_146 = arith.constant 5 : i32
      %parallel_loop3A_147 = arith.index_cast %parallel_loop3A_146 : i32 to index
      %parallel_loop3A_148 = arith.index_cast %parallel_loop3A_145 : i32 to index
      %parallel_loop3A_149 = tpu.vector_load %arg7[%parallel_loop3A_147, %parallel_loop3A_148] {strides = array<i32>} : memref<20x512xf32, #tpu.memory_space<vmem>>, vector<16xf32>,
      tpu.vector_store %arg7[%parallel_loop3A_147, %parallel_loop3A_148], %parallel_loop3A_143 {strides = array<i32>} : memref<20x512xf32, #tpu.memory_space<vmem>>, vector<16xf32>,
      %parallel_loop3A_150 = vector.shape_cast %parallel_loop3A_95 : vector<16xi32> to vector<16x1xi32>
      %parallel_loop3A_151 = vector.shape_cast %parallel_loop3A_150 : vector<16x1xi32> to vector<16xi32>
      %parallel_loop3A_152 = tpu.dynamic_gather %gather3A_24[%parallel_loop3A_151] in [0] : vector<16xf32>, vector<16xi32> -> vector<16xf32>
      %parallel_loop3A_153 = arith.constant 16 : i32
      %parallel_loop3A_154 = arith.muli %parallel_loop3A_67, %parallel_loop3A_153 : i32
      %parallel_loop3A_155 = arith.constant 6 : i32
      %parallel_loop3A_156 = arith.index_cast %parallel_loop3A_155 : i32 to index
      %parallel_loop3A_157 = arith.index_cast %parallel_loop3A_154 : i32 to index
      %parallel_loop3A_158 = tpu.vector_load %arg7[%parallel_loop3A_156, %parallel_loop3A_157] {strides = array<i32>} : memref<20x512xf32, #tpu.memory_space<vmem>>, vector<16xf32>,
      tpu.vector_store %arg7[%parallel_loop3A_156, %parallel_loop3A_157], %parallel_loop3A_152 {strides = array<i32>} : memref<20x512xf32, #tpu.memory_space<vmem>>, vector<16xf32>,
      %parallel_loop3A_159 = vector.shape_cast %parallel_loop3A_95 : vector<16xi32> to vector<16x1xi32>
      %parallel_loop3A_160 = vector.shape_cast %parallel_loop3A_159 : vector<16x1xi32> to vector<16xi32>
      %parallel_loop3A_161 = tpu.dynamic_gather %gather3A_27[%parallel_loop3A_160] in [0] : vector<16xf32>, vector<16xi32> -> vector<16xf32>
      %parallel_loop3A_162 = arith.constant 16 : i32
      %parallel_loop3A_163 = arith.muli %parallel_loop3A_67, %parallel_loop3A_162 : i32
      %parallel_loop3A_164 = arith.constant 7 : i32
      %parallel_loop3A_165 = arith.index_cast %parallel_loop3A_164 : i32 to index
      %parallel_loop3A_166 = arith.index_cast %parallel_loop3A_163 : i32 to index
      %parallel_loop3A_167 = tpu.vector_load %arg7[%parallel_loop3A_165, %parallel_loop3A_166] {strides = array<i32>} : memref<20x512xf32, #tpu.memory_space<vmem>>, vector<16xf32>,
      tpu.vector_store %arg7[%parallel_loop3A_165, %parallel_loop3A_166], %parallel_loop3A_161 {strides = array<i32>} : memref<20x512xf32, #tpu.memory_space<vmem>>, vector<16xf32>,
      %parallel_loop3A_168 = vector.shape_cast %parallel_loop3A_95 : vector<16xi32> to vector<16x1xi32>
      %parallel_loop3A_169 = vector.shape_cast %parallel_loop3A_168 : vector<16x1xi32> to vector<16xi32>
      %parallel_loop3A_170 = tpu.dynamic_gather %gather3A_30[%parallel_loop3A_169] in [0] : vector<16xf32>, vector<16xi32> -> vector<16xf32>
      %parallel_loop3A_171 = arith.constant 16 : i32
      %parallel_loop3A_172 = arith.muli %parallel_loop3A_67, %parallel_loop3A_171 : i32
      %parallel_loop3A_173 = arith.constant 8 : i32
      %parallel_loop3A_174 = arith.index_cast %parallel_loop3A_173 : i32 to index
      %parallel_loop3A_175 = arith.index_cast %parallel_loop3A_172 : i32 to index
      %parallel_loop3A_176 = tpu.vector_load %arg7[%parallel_loop3A_174, %parallel_loop3A_175] {strides = array<i32>} : memref<20x512xf32, #tpu.memory_space<vmem>>, vector<16xf32>,
      tpu.vector_store %arg7[%parallel_loop3A_174, %parallel_loop3A_175], %parallel_loop3A_170 {strides = array<i32>} : memref<20x512xf32, #tpu.memory_space<vmem>>, vector<16xf32>,
      %parallel_loop3A_177 = vector.shape_cast %parallel_loop3A_95 : vector<16xi32> to vector<16x1xi32>
      %parallel_loop3A_178 = vector.shape_cast %parallel_loop3A_177 : vector<16x1xi32> to vector<16xi32>
      %parallel_loop3A_179 = tpu.dynamic_gather %gather3A_33[%parallel_loop3A_178] in [0] : vector<16xf32>, vector<16xi32> -> vector<16xf32>
      %parallel_loop3A_180 = arith.constant 16 : i32
      %parallel_loop3A_181 = arith.muli %parallel_loop3A_67, %parallel_loop3A_180 : i32
      %parallel_loop3A_182 = arith.constant 9 : i32
      %parallel_loop3A_183 = arith.index_cast %parallel_loop3A_182 : i32 to index
      %parallel_loop3A_184 = arith.index_cast %parallel_loop3A_181 : i32 to index
      %parallel_loop3A_185 = tpu.vector_load %arg7[%parallel_loop3A_183, %parallel_loop3A_184] {strides = array<i32>} : memref<20x512xf32, #tpu.memory_space<vmem>>, vector<16xf32>,
      tpu.vector_store %arg7[%parallel_loop3A_183, %parallel_loop3A_184], %parallel_loop3A_179 {strides = array<i32>} : memref<20x512xf32, #tpu.memory_space<vmem>>, vector<16xf32>,
      %parallel_loop3A_186 = vector.shape_cast %parallel_loop3A_95 : vector<16xi32> to vector<16x1xi32>
      %parallel_loop3A_187 = vector.shape_cast %parallel_loop3A_186 : vector<16x1xi32> to vector<16xi32>
      %parallel_loop3A_188 = tpu.dynamic_gather %gather3A_36[%parallel_loop3A_187] in [0] : vector<16xf32>, vector<16xi32> -> vector<16xf32>
      %parallel_loop3A_189 = arith.constant 16 : i32
      %parallel_loop3A_190 = arith.muli %parallel_loop3A_67, %parallel_loop3A_189 : i32
      %parallel_loop3A_191 = arith.constant 10 : i32
      %parallel_loop3A_192 = arith.index_cast %parallel_loop3A_191 : i32 to index
      %parallel_loop3A_193 = arith.index_cast %parallel_loop3A_190 : i32 to index
      %parallel_loop3A_194 = tpu.vector_load %arg7[%parallel_loop3A_192, %parallel_loop3A_193] {strides = array<i32>} : memref<20x512xf32, #tpu.memory_space<vmem>>, vector<16xf32>,
      tpu.vector_store %arg7[%parallel_loop3A_192, %parallel_loop3A_193], %parallel_loop3A_188 {strides = array<i32>} : memref<20x512xf32, #tpu.memory_space<vmem>>, vector<16xf32>,
      %parallel_loop3A_195 = vector.shape_cast %parallel_loop3A_95 : vector<16xi32> to vector<16x1xi32>
      %parallel_loop3A_196 = vector.shape_cast %parallel_loop3A_195 : vector<16x1xi32> to vector<16xi32>
      %parallel_loop3A_197 = tpu.dynamic_gather %gather3A_39[%parallel_loop3A_196] in [0] : vector<16xf32>, vector<16xi32> -> vector<16xf32>
      %parallel_loop3A_198 = arith.constant 16 : i32
      %parallel_loop3A_199 = arith.muli %parallel_loop3A_67, %parallel_loop3A_198 : i32
      %parallel_loop3A_200 = arith.constant 11 : i32
      %parallel_loop3A_201 = arith.index_cast %parallel_loop3A_200 : i32 to index
      %parallel_loop3A_202 = arith.index_cast %parallel_loop3A_199 : i32 to index
      %parallel_loop3A_203 = tpu.vector_load %arg7[%parallel_loop3A_201, %parallel_loop3A_202] {strides = array<i32>} : memref<20x512xf32, #tpu.memory_space<vmem>>, vector<16xf32>,
      tpu.vector_store %arg7[%parallel_loop3A_201, %parallel_loop3A_202], %parallel_loop3A_197 {strides = array<i32>} : memref<20x512xf32, #tpu.memory_space<vmem>>, vector<16xf32>,
      %parallel_loop3A_204 = vector.shape_cast %parallel_loop3A_95 : vector<16xi32> to vector<16x1xi32>
      %parallel_loop3A_205 = vector.shape_cast %parallel_loop3A_204 : vector<16x1xi32> to vector<16xi32>
      %parallel_loop3A_206 = tpu.dynamic_gather %gather3A_42[%parallel_loop3A_205] in [0] : vector<16xf32>, vector<16xi32> -> vector<16xf32>
      %parallel_loop3A_207 = arith.constant 16 : i32
      %parallel_loop3A_208 = arith.muli %parallel_loop3A_67, %parallel_loop3A_207 : i32
      %parallel_loop3A_209 = arith.constant 12 : i32
      %parallel_loop3A_210 = arith.index_cast %parallel_loop3A_209 : i32 to index
      %parallel_loop3A_211 = arith.index_cast %parallel_loop3A_208 : i32 to index
      %parallel_loop3A_212 = tpu.vector_load %arg7[%parallel_loop3A_210, %parallel_loop3A_211] {strides = array<i32>} : memref<20x512xf32, #tpu.memory_space<vmem>>, vector<16xf32>,
      tpu.vector_store %arg7[%parallel_loop3A_210, %parallel_loop3A_211], %parallel_loop3A_206 {strides = array<i32>} : memref<20x512xf32, #tpu.memory_space<vmem>>, vector<16xf32>,
      %parallel_loop3A_213 = vector.shape_cast %parallel_loop3A_95 : vector<16xi32> to vector<16x1xi32>
      %parallel_loop3A_214 = vector.shape_cast %parallel_loop3A_213 : vector<16x1xi32> to vector<16xi32>
      %parallel_loop3A_215 = tpu.dynamic_gather %gather3A_45[%parallel_loop3A_214] in [0] : vector<16xf32>, vector<16xi32> -> vector<16xf32>
      %parallel_loop3A_216 = arith.constant 16 : i32
      %parallel_loop3A_217 = arith.muli %parallel_loop3A_67, %parallel_loop3A_216 : i32
      %parallel_loop3A_218 = arith.constant 13 : i32
      %parallel_loop3A_219 = arith.index_cast %parallel_loop3A_218 : i32 to index
      %parallel_loop3A_220 = arith.index_cast %parallel_loop3A_217 : i32 to index
      %parallel_loop3A_221 = tpu.vector_load %arg7[%parallel_loop3A_219, %parallel_loop3A_220] {strides = array<i32>} : memref<20x512xf32, #tpu.memory_space<vmem>>, vector<16xf32>,
      tpu.vector_store %arg7[%parallel_loop3A_219, %parallel_loop3A_220], %parallel_loop3A_215 {strides = array<i32>} : memref<20x512xf32, #tpu.memory_space<vmem>>, vector<16xf32>,
      %parallel_loop3A_222 = vector.shape_cast %parallel_loop3A_95 : vector<16xi32> to vector<16x1xi32>
      %parallel_loop3A_223 = vector.shape_cast %parallel_loop3A_222 : vector<16x1xi32> to vector<16xi32>
      %parallel_loop3A_224 = tpu.dynamic_gather %gather3A_48[%parallel_loop3A_223] in [0] : vector<16xf32>, vector<16xi32> -> vector<16xf32>
      %parallel_loop3A_225 = arith.constant 16 : i32
      %parallel_loop3A_226 = arith.muli %parallel_loop3A_67, %parallel_loop3A_225 : i32
      %parallel_loop3A_227 = arith.constant 14 : i32
      %parallel_loop3A_228 = arith.index_cast %parallel_loop3A_227 : i32 to index
      %parallel_loop3A_229 = arith.index_cast %parallel_loop3A_226 : i32 to index
      %parallel_loop3A_230 = tpu.vector_load %arg7[%parallel_loop3A_228, %parallel_loop3A_229] {strides = array<i32>} : memref<20x512xf32, #tpu.memory_space<vmem>>, vector<16xf32>,
      tpu.vector_store %arg7[%parallel_loop3A_228, %parallel_loop3A_229], %parallel_loop3A_224 {strides = array<i32>} : memref<20x512xf32, #tpu.memory_space<vmem>>, vector<16xf32>,
      %parallel_loop3A_231 = vector.shape_cast %parallel_loop3A_95 : vector<16xi32> to vector<16x1xi32>
      %parallel_loop3A_232 = vector.shape_cast %parallel_loop3A_231 : vector<16x1xi32> to vector<16xi32>
      %parallel_loop3A_233 = tpu.dynamic_gather %gather3A_51[%parallel_loop3A_232] in [0] : vector<16xf32>, vector<16xi32> -> vector<16xf32>
      %parallel_loop3A_234 = arith.constant 16 : i32
      %parallel_loop3A_235 = arith.muli %parallel_loop3A_67, %parallel_loop3A_234 : i32
      %parallel_loop3A_236 = arith.constant 15 : i32
      %parallel_loop3A_237 = arith.index_cast %parallel_loop3A_236 : i32 to index
      %parallel_loop3A_238 = arith.index_cast %parallel_loop3A_235 : i32 to index
      %parallel_loop3A_239 = tpu.vector_load %arg7[%parallel_loop3A_237, %parallel_loop3A_238] {strides = array<i32>} : memref<20x512xf32, #tpu.memory_space<vmem>>, vector<16xf32>,
      tpu.vector_store %arg7[%parallel_loop3A_237, %parallel_loop3A_238], %parallel_loop3A_233 {strides = array<i32>} : memref<20x512xf32, #tpu.memory_space<vmem>>, vector<16xf32>,
      %parallel_loop3A_240 = vector.shape_cast %parallel_loop3A_95 : vector<16xi32> to vector<16x1xi32>
      %parallel_loop3A_241 = vector.shape_cast %parallel_loop3A_240 : vector<16x1xi32> to vector<16xi32>
      %parallel_loop3A_242 = tpu.dynamic_gather %gather3A_54[%parallel_loop3A_241] in [0] : vector<16xf32>, vector<16xi32> -> vector<16xf32>
      %parallel_loop3A_243 = arith.constant 16 : i32
      %parallel_loop3A_244 = arith.muli %parallel_loop3A_67, %parallel_loop3A_243 : i32
      %parallel_loop3A_245 = arith.constant 16 : i32
      %parallel_loop3A_246 = arith.index_cast %parallel_loop3A_245 : i32 to index
      %parallel_loop3A_247 = arith.index_cast %parallel_loop3A_244 : i32 to index
      %parallel_loop3A_248 = tpu.vector_load %arg7[%parallel_loop3A_246, %parallel_loop3A_247] {strides = array<i32>} : memref<20x512xf32, #tpu.memory_space<vmem>>, vector<16xf32>,
      tpu.vector_store %arg7[%parallel_loop3A_246, %parallel_loop3A_247], %parallel_loop3A_242 {strides = array<i32>} : memref<20x512xf32, #tpu.memory_space<vmem>>, vector<16xf32>,
      %parallel_loop3A_249 = vector.shape_cast %parallel_loop3A_95 : vector<16xi32> to vector<16x1xi32>
      %parallel_loop3A_250 = vector.shape_cast %parallel_loop3A_249 : vector<16x1xi32> to vector<16xi32>
      %parallel_loop3A_251 = tpu.dynamic_gather %gather3A_57[%parallel_loop3A_250] in [0] : vector<16xf32>, vector<16xi32> -> vector<16xf32>
      %parallel_loop3A_252 = arith.constant 16 : i32
      %parallel_loop3A_253 = arith.muli %parallel_loop3A_67, %parallel_loop3A_252 : i32
      %parallel_loop3A_254 = arith.constant 17 : i32
      %parallel_loop3A_255 = arith.index_cast %parallel_loop3A_254 : i32 to index
      %parallel_loop3A_256 = arith.index_cast %parallel_loop3A_253 : i32 to index
      %parallel_loop3A_257 = tpu.vector_load %arg7[%parallel_loop3A_255, %parallel_loop3A_256] {strides = array<i32>} : memref<20x512xf32, #tpu.memory_space<vmem>>, vector<16xf32>,
      tpu.vector_store %arg7[%parallel_loop3A_255, %parallel_loop3A_256], %parallel_loop3A_251 {strides = array<i32>} : memref<20x512xf32, #tpu.memory_space<vmem>>, vector<16xf32>,
      %parallel_loop3A_258 = vector.shape_cast %parallel_loop3A_95 : vector<16xi32> to vector<16x1xi32>
      %parallel_loop3A_259 = vector.shape_cast %parallel_loop3A_258 : vector<16x1xi32> to vector<16xi32>
      %parallel_loop3A_260 = tpu.dynamic_gather %gather3A_60[%parallel_loop3A_259] in [0] : vector<16xf32>, vector<16xi32> -> vector<16xf32>
      %parallel_loop3A_261 = arith.constant 16 : i32
      %parallel_loop3A_262 = arith.muli %parallel_loop3A_67, %parallel_loop3A_261 : i32
      %parallel_loop3A_263 = arith.constant 18 : i32
      %parallel_loop3A_264 = arith.index_cast %parallel_loop3A_263 : i32 to index
      %parallel_loop3A_265 = arith.index_cast %parallel_loop3A_262 : i32 to index
      %parallel_loop3A_266 = tpu.vector_load %arg7[%parallel_loop3A_264, %parallel_loop3A_265] {strides = array<i32>} : memref<20x512xf32, #tpu.memory_space<vmem>>, vector<16xf32>,
      tpu.vector_store %arg7[%parallel_loop3A_264, %parallel_loop3A_265], %parallel_loop3A_260 {strides = array<i32>} : memref<20x512xf32, #tpu.memory_space<vmem>>, vector<16xf32>,
      %parallel_loop3A_267 = vector.shape_cast %parallel_loop3A_95 : vector<16xi32> to vector<16x1xi32>
      %parallel_loop3A_268 = vector.shape_cast %parallel_loop3A_267 : vector<16x1xi32> to vector<16xi32>
      %parallel_loop3A_269 = tpu.dynamic_gather %gather3A_63[%parallel_loop3A_268] in [0] : vector<16xf32>, vector<16xi32> -> vector<16xf32>
      %parallel_loop3A_270 = arith.constant 16 : i32
      %parallel_loop3A_271 = arith.muli %parallel_loop3A_67, %parallel_loop3A_270 : i32
      %parallel_loop3A_272 = arith.constant 19 : i32
      %parallel_loop3A_273 = arith.index_cast %parallel_loop3A_272 : i32 to index
      %parallel_loop3A_274 = arith.index_cast %parallel_loop3A_271 : i32 to index
      %parallel_loop3A_275 = tpu.vector_load %arg7[%parallel_loop3A_273, %parallel_loop3A_274] {strides = array<i32>} : memref<20x512xf32, #tpu.memory_space<vmem>>, vector<16xf32>,
      tpu.vector_store %arg7[%parallel_loop3A_273, %parallel_loop3A_274], %parallel_loop3A_269 {strides = array<i32>} : memref<20x512xf32, #tpu.memory_space<vmem>>, vector<16xf32>,
    } {sc.loop_unroll_factor = 1 : i64, sc.parallel_access}
    "tpu.region"() ({
      %run_scoped3A = tpu.sem_alloc : memref<!tpu.dma_semaphore, #tpu.memory_space<semaphore_mem>>
      %dma_start3A_67 = arith.constant 0 : i32
      %dma_start3A_68 = tpu.memref_slice %arg4[%dma_start3A_67, %mul3A_2] : memref<20x16384xf32, #tpu.memory_space<hbm>> -> memref<20x512xf32, #tpu.memory_space<hbm>>
      %dma_start3A_69 = arith.constant 0 : i32
      %dma_start3A_70 = tpu.memref_slice %arg4[%dma_start3A_69, %mul3A_2] : memref<20x16384xf32, #tpu.memory_space<hbm>> -> memref<20x512xf32, #tpu.memory_space<hbm>>
      tpu.enqueue_dma source(%arg7 : memref<20x512xf32, #tpu.memory_space<vmem>>) target(%dma_start3A_70 : memref<20x512xf32, #tpu.memory_space<hbm>>) target_semaphore(%run_scoped3A : memref<!tpu.dma_semaphore, #tpu.memory_space<semaphore_mem>>)
      %dma_wait3A_71 = arith.constant 0 : i32
      %dma_wait3A_72 = tpu.memref_slice %arg4[%dma_wait3A_71, %mul3A_2] : memref<20x16384xf32, #tpu.memory_space<hbm>> -> memref<20x512xf32, #tpu.memory_space<hbm>>
      %dma_wait3A_73 = arith.constant 0 : i32
      %dma_wait3A_74 = tpu.memref_slice %arg4[%dma_wait3A_73, %mul3A_2] : memref<20x16384xf32, #tpu.memory_space<hbm>> -> memref<20x512xf32, #tpu.memory_space<hbm>>
      tpu.wait_dma2 semaphore(%run_scoped3A : memref<!tpu.dma_semaphore, #tpu.memory_space<semaphore_mem>>) src(%arg7 : memref<20x512xf32, #tpu.memory_space<vmem>>) dst(%dma_wait3A_74 : memref<20x512xf32, #tpu.memory_space<hbm>>)
      tpu.yield
    }) : () -> ()
    return
  }
}

</mosaic_0001>

<sc_bundles>
// kernel: kernel.3.cloned.1.call-start
scs
__scs_entry_jumppad:
0x0: {  	(pc) =	sbr.rel $0x88, $3  }
0x1: {  	(tag) =	ssettag $0x0;
	lr =	simm.s32 $0x1  }
0x2: {  	[smem:$0x3F9F] =	sst lr;
	_ =	strace $0xD0000000  }
0x3: {  	_ = 	snop  }
0x4: {  	_ = 	snop  }
0x5: {  	_ = 	snop  }
0x6: {  	_ = 	snop  }
0x7: {  	_ = 	snop  }
__scs_overlays_trampoline_lowered:
0x8: {  	[smem:$0x3FAE] =	sst s0  }
0x9: {  	[smem:$0x3FAF] =	sst s1  }
0xa: {  	[smem:$0x3FB0] =	sst s2  }
0xb: {  	[smem:$0x3FB1] =	sst s3  }
0xc: {  	[smem:$0x3FB2] =	sst s4  }
0xd: {  	[smem:$0x3FB3] =	sst s5  }
0xe: {  	[smem:$0x3FB4] =	sst s6  }
0xf: {  	[smem:$0x3FB5] =	sst s7  }
0x10: {  	[smem:$0x3FB6] =	sst s8  }
0x11: {  	[smem:$0x3FB7] =	sst s9;
	s0 =	simm.s32 @!p0 $0x0  }
0x12: {  	s1 =	sld [smem:$0x3F9D];
	s0 =	simm.s32 @p0 $0x1  }
0x13: {  	[smem:$0x3FB8] =	sst s0;
	s0 =	simm.s32 @!p1 $0x0  }
0x14: {  	s2 =	sld [smem:$0x3F9C];
	s0 =	simm.s32 @p1 $0x1  }
0x15: {  	[smem:$0x3FB9] =	sst s0;
	s0 =	simm.s32 @!p2 $0x0  }
0x16: {  	s3 =	sld [smem:$0x3FDB];
	s0 =	simm.s32 @p2 $0x1  }
0x17: {  	s4 =	simm.s32 $0x1BF5;
	[smem:$0x3FBB] =	sst s0  }
0x18: {  	s0 =	sld [smem:$0x3F9E];
	_ =	swait.ge [sflag:s4], $0x0  }
0x19: {  	s7 =	sld [smem:$0x3F9F]  }
0x1a: {  	s8 =	sadd.s32 $0xFFFFE003, lr  }
0x1b: {  	s9 =	sadd.s32 $0xFFFFFEF7, lr;
	s5 =	simm.s32 $0xFFFFFFFF;
	p2 =	slt.u32 s8, $0xFFFFF086  }
0x1c: {  	p1 =	slt.u32 s9, $0xF7A;
	s5 =	simm.s32 @!p2 $0x0  }
0x1d: {  	s5 =	simm.s32 @p1 $0x1;
	p0 =	seq.s32 s7, s2  }
0x1e: {  	s7 =	smul.u32 @!p0 $0xF7A, s2;
	p2 =	seq.s32 @!p0 s5, $0x0  }
0x1f: {  	s9 =	smul.u32 $0xF7A, s1;
	s8 =	simm.s32 @!p0 $0x1BF5;
	p2 =	por !p2, p0  }
0x20: {  	[sflag:s8] =	ssyncset.s32 @!p0 $0xFFFFF086;
	s6 =	sadd.s32 @!p0 s3, s7;
	s7 =	simm.s32 @!p0 $0x108  }
0x21: {  	s3 =	sadd.s32 s3, s9;
	s6 =	sadd.s32 @!p0 $0x88, s6;
	s7 =	simm.s32 @p2 $0x1082  }
0x22: {  	[simem:s7], [sflag:s8] =	dma.local @!p0 [hbm:s6], $0xF7A  }
0x23: {  	s9 =	sor.u32 $0xD0000000, s2;
	s6 =	simm.s32 $0x108;
	_ =	swait.ge @!p0 [sflag:s8], $0x0  }
0x24: {  	s3 =	sadd.s32 $0x88, s3;
	s6 =	simm.s32 @!p1 $0x1082;
	[sflag:s4] =	ssyncset.s32 $0xFFFFF086  }
0x25: {  	[simem:s6], [sflag:s4] =	dma.local [hbm:s3], $0xF7A  }
0x26: {  	[smem:$0x3F9F] =	sst s1;
	(tag) =	ssettag s2;
	_ =	strace s9  }
0x27: {  	s1 =	sld [smem:$0x3FAF]  }
0x28: {  	s2 =	sld [smem:$0x3FB0]  }
0x29: {  	s4 =	sld [smem:$0x3FB2]  }
0x2a: {  	p0 =	seq.s32 s5, $0x0;
	s5 =	sld [smem:$0x3FB3]  }
0x2b: {  	s6 =	sld [smem:$0x3FB4]  }
0x2c: {  	s7 =	sld [smem:$0x3FB5]  }
0x2d: {  	s3 =	simm.s32 $0x108;
	s8 =	sld [smem:$0x3FB6]  }
0x2e: {  	s3 =	simm.s32 @!p0 $0x1082;
	s9 =	sld [smem:$0x3FB7]  }
0x2f: {  	lr =	sadd.s32 s0, s3;
	s0 =	sld [smem:$0x3FAE]  }
0x30: {  	s3 =	sld [smem:$0x3FB1]  }
0x31: {  	[smem:$0x3FBA] =	sst s10  }
0x32: {  	s10 =	sld [smem:$0x3FB8];
	_ =	sdelay $0x3  }
0x33: {  	p0 =	seq.s32 s10, $0x1;
	s10 =	sld [smem:$0x3FBA];
	_ =	sdelay $0x3  }
0x34: {  	[smem:$0x3FBA] =	sst s10  }
0x35: {  	s10 =	sld [smem:$0x3FB9];
	_ =	sdelay $0x3  }
0x36: {  	p1 =	seq.s32 s10, $0x1;
	s10 =	sld [smem:$0x3FBA];
	_ =	sdelay $0x3  }
0x37: {  	[smem:$0x3FBA] =	sst s10  }
0x38: {  	s10 =	sld [smem:$0x3FBB]  }
0x39: {  	_ = 	snop;
	(pc) =	sbr.ind lr, $3  }
0x3a: {  	_ = 	snop  }
0x3b: {  	_ = 	snop  }
0x3c: {  	p2 =	seq.s32 s10, $0x1;
	s10 =	sld [smem:$0x3FBA]  }
0x3d: {  	_ =	shalt  }
0x3e: {  	_ =	shalt  }
0x3f: {  	_ =	shalt  }
0x40: {  	_ =	shalt  }
0x41: {  	_ =	shalt  }
0x42: {  	_ =	shalt  }
0x43: {  	_ =	shalt  }
0x44: {  	_ =	shalt  }
0x45: {  	_ =	shalt  }
0x46: {  	_ =	shalt  }
0x47: {  	_ =	shalt  }
0x48: {  	_ =	shalt  }
0x49: {  	_ =	shalt  }
0x4a: {  	_ =	shalt  }
0x4b: {  	_ =	shalt  }
0x4c: {  	_ =	shalt  }
0x4d: {  	_ =	shalt  }
0x4e: {  	_ =	shalt  }
0x4f: {  	_ =	shalt  }
0x50: {  	_ =	shalt  }
0x51: {  	_ =	shalt  }
0x52: {  	_ =	shalt  }
0x53: {  	_ =	shalt  }
0x54: {  	_ =	shalt  }
0x55: {  	_ =	shalt  }
0x56: {  	_ =	shalt  }
0x57: {  	_ =	shalt  }
0x58: {  	_ =	shalt  }
0x59: {  	_ =	shalt  }
0x5a: {  	_ =	shalt  }
0x5b: {  	_ =	shalt  }
0x5c: {  	_ =	shalt  }
0x5d: {  	_ =	shalt  }
0x5e: {  	_ =	shalt  }
0x5f: {  	_ =	shalt  }
0x60: {  	_ =	shalt  }
0x61: {  	_ =	shalt  }
0x62: {  	_ =	shalt  }
0x63: {  	_ =	shalt  }
0x64: {  	_ =	shalt  }
0x65: {  	_ =	shalt  }
0x66: {  	_ =	shalt  }
0x67: {  	_ =	shalt  }
0x68: {  	_ =	shalt  }
0x69: {  	_ =	shalt  }
0x6a: {  	_ =	shalt  }
0x6b: {  	_ =	shalt  }
0x6c: {  	_ =	shalt  }
0x6d: {  	_ =	shalt  }
0x6e: {  	_ =	shalt  }
0x6f: {  	_ =	shalt  }
0x70: {  	_ =	shalt  }
0x71: {  	_ =	shalt  }
0x72: {  	_ =	shalt  }
0x73: {  	_ =	shalt  }
0x74: {  	_ =	shalt  }
0x75: {  	_ =	shalt  }
0x76: {  	_ =	shalt  }
0x77: {  	_ =	shalt  }
0x78: {  	_ =	shalt  }
0x79: {  	_ =	shalt  }
0x7a: {  	_ =	shalt  }
0x7b: {  	_ =	shalt  }
0x7c: {  	_ =	shalt  }
0x7d: {  	_ =	shalt  }
0x7e: {  	_ =	shalt  }
0x7f: {  	_ =	shalt  }
0x80: {  	_ =	shalt  }
0x81: {  	_ =	shalt  }
0x82: {  	_ =	shalt  }
0x83: {  	_ =	shalt  }
0x84: {  	_ =	shalt  }
0x85: {  	_ =	shalt  }
0x86: {  	_ =	shalt  }
0x87: {  	_ =	shalt  }
.Lfunc_end0:
.L_simem_size_0:
called_computation_lowered:
.L_overlay_start_0:
0x88: {  	s2 =	sld [smem:$0x3FD9]  }
0x89: {  	s3 =	sld [smem:$0x3FFE];
	_ =	sdelay $0x1  }
0x8a: {  	s1 =	srdreg.scid  }
0x8b: {  	s0 =	sand.u32 $0x1, s1  }
0x8c: {  	s18 =	sshll.u32 s0, $0xA;
	s2 =	sadd.s32 s3, s2  }
0x8d: {  	s2 =	sadd.s32 s2, s18  }
0x8e: {  	[smem:$0x3FC6] =	sst s2  }
0x8f: {  	_ = 	snop  }
0x90: {  	s2 =	sld [smem:$0x3FC9]  }
0x91: {  	s19 =	sld [smem:$0x3FC8]  }
0x92: {  	s4 =	sld [smem:$0x3FD0];
	(tm) =	ssettm $0x1  }
0x93: {  	s5 =	sld [smem:$0x3FFB];
	_ =	sdelay $0x3  }
0x94: {  	_ =	strace s5  }
0x95: {  	s5 =	sld [smem:$0x3FFC];
	_ =	sdelay $0x3  }
0x96: {  	_ =	strace s5  }
0x97: {  	s5 =	sld [smem:$0x3FFD];
	_ =	sdelay $0x3  }
0x98: {  	_ =	strace s5  }
0x99: {  	_ =	strace $0x8FFFFFFF  }
0x9a: {  	s20 =	sld [smem:$0x3FDB];
	_ =	sdelay $0x1  }
0x9b: {  	s6 =	simm.s32 $_scs_section_size  }
0x9c: {  	s7 =	simm.s32 $_size__tile_overlayer_lowered;
	s8 =	simm.s32 $_tile_overlayer_lowered  }
0x9d: {  	s23 =	simm.s32 $0x1BFF;
	s22 =	sshll.u32 s8, $0x1;
	s5 =	sadd.s32 s6, s20  }
0x9e: {  	s9 =	simm.s32 $0x0;
	s21 =	sshll.u32 s7, $0x1;
	s7 =	sadd.s32 s22, s5  }
0x9f: {  	[timem:s9], [sflag:s23] =	dma.local [hbm:s7], s21  }
0xa0: {  	_ =	swait.ge [sflag:s23], s21  }
0xa1: {  	s6 =	ssub.s32 $0x0, s21;
	[sflag:s23] =	ssyncset.done $0x0  }
0xa2: {  	[sflag:s23] =	ssyncadd.s32 s6;
	_ =	sdelay $0x1  }
0xa3: {  	s24 =	simm.s32 $0x1B8B  }
0xa4: {  	_ =	swait.ge [sflag:s24], $0x1  }
0xa5: {  	[sflag:s24] =	ssyncset.done $0x0  }
0xa6: {  	s25 =	simm.s32 $0x1B8E;
	[sflag:s24] =	ssyncadd.s32 $0xFFFFFFFF  }
0xa7: {  	s26 =	simm.s32 $execute0_lowered;
	[smem:$0x3FD2] =	sst s25  }
0xa8: {  	s6 =	sshll.u32 s26, $0x1;
	_ =	strace $0x80000046;
	[dreg:$0x1] =	wrdreg $0xFFFFFFFF  }
0xa9: {  	s28 =	simm.s32 $_size_execute0_lowered;
	s5 =	sadd.s32 s5, s6;
	[dreg:$0x0] =	wrdreg $0x0  }
0xaa: {  	s6 =	sshll.u32 s28, $0x1;
	[dreg:$0x2] =	wrdreg s5  }
0xab: {  	[dreg:$0x3] =	wrdreg s6  }
0xac: {  	[dreg:$0x4] =	wrdreg $0xC0  }
0xad: {  	_ =	task [dreg:s9], $0x5FFFF  }
0xae: {  	[dreg:$0x1] =	wrdreg $0xFFFFFFFF  }
0xaf: {  	[dreg:$0x0] =	wrdreg $0x60  }
0xb0: {  	[dreg:$0x2] =	wrdreg s2  }
0xb1: {  	[dreg:$0x3] =	wrdreg s19  }
0xb2: {  	[dreg:$0x4] =	wrdreg s4  }
0xb3: {  	[dreg:$0x5] =	wrdreg $0x9  }
0xb4: {  	_ =	task.clear_ibuf [dreg:s9], $0x6FFFF;
	_ =	strace $0x90000046  }
0xb5: {  	s29 =	simm.s32 $0x9;
	_ =	strace $0x80000048  }
0xb6: {  	_ =	swait.ge [sflag:s29], $0x1  }
0xb7: {  	[sflag:s29] =	ssyncadd.s32 $0xFFFFFFFF  }
0xb8: {  	_ =	strace $0x90000048  }
0xb9: {  	_ =	sfence  }
0xba: {  	s30 =	sld [smem:$0x0];
	_ =	sdelay $0x2  }
0xbb: {  	s31 =	sshll.u32 s1, $0xD;
	s1 =	sshrl.u32 s1, $0x2  }
0xbc: {  	s3 =	sand.u32 $0x4000, s31;
	s1 =	sadd.s32 s1, s30  }
0xbd: {  	s0 =	sor.u32 s3, s0;
	s1 =	sshll.u32 s1, $0x11  }
0xbe: {  	s0 =	sor.u32 s1, s0  }
0xbf: {  	s0 =	sadd.s32 $0x8F2B, s0  }
0xc0: {  	[sflag:s0] =	ssyncadd.remote.s32 $0x1  }
0xc1: {  	_ =	sfence.sel $0xFFFF  }
0xc2: {  	[dreg:$0x0] =	wrdreg $0xFFFFFFFF;
	(pc) =	sbr.abs _section_cstart, $3  }
0xc3: {  	[dreg:$0x1] =	wrdreg $0xFFFFFFFF  }
0xc4: {  	_ =	task.clear_ibuf [dreg:s9], $0x2FFFF;
	_ =	strace $0x9FFFFFFF  }
0xc5: {  	(tm) =	ssettm $0x7FFFFFFF  }
tec
execute0_lowered:
.L_overlay_start_1:
0x0: {  	(tag) =	ssettag $0x1  }
0x1: {  	v0 =	vimm.s32 $0x400;
	vm7 =	vcmask $0x300  }
0x2: {  	v1 =	vimm.s32 $0x401;
	vm6 =	vcmask $0x704;
	vm5 =	vcmask $0xB08  }
0x3: {  	vm4 =	vcmask $0xF0C;
	vm3 =	vcmask $0x1310;
	vm1 =	vcmask $0x1714  }
0x4: {  	vm2 =	vcmask $0x1B18;
	vm0 =	vcmask $0x1F1C;
	v2 =	vimm.s32 $0x402  }
0x5: {  	v3 =	vimm.s32 $0x403;
	v4 =	vimm.s32 $0x404;
	v5 =	vimm.s32 $0x405  }
0x6: {  	v6 =	vimm.s32 $0x406;
	v7 =	vimm.s32 $0x407;
	v8 =	vimm.s32 $0x408  }
0x7: {  	v9 =	vimm.s32 $0x409;
	v10 =	vimm.s32 $0x40A;
	v11 =	vimm.s32 $0x40B  }
0x8: {  	v12 =	vimm.s32 $0x40C;
	v13 =	vimm.s32 $0x40D;
	v14 =	vimm.s32 $0x40E  }
0x9: {  	v15 =	vimm.s32 $0x40F;
	v16 =	vimm.s32 $0x410;
	v17 =	vimm.s32 $0x411  }
0xa: {  	v18 =	vimm.s32 $0x412;
	v19 =	vimm.s32 $0x413;
	v0 =	vsel vm7, $0x0, v0  }
0xb: {  	v1 =	vsel vm7, $0x1, v1;
	v2 =	vsel vm7, $0x2, v2;
	v3 =	vsel vm7, $0x3, v3  }
0xc: {  	v4 =	vsel vm7, $0x4, v4;
	v5 =	vsel vm7, $0x5, v5;
	v6 =	vsel vm7, $0x6, v6  }
0xd: {  	v7 =	vsel vm7, $0x7, v7;
	v8 =	vsel vm7, $0x8, v8;
	v9 =	vsel vm7, $0x9, v9  }
0xe: {  	v10 =	vsel vm7, $0xA, v10;
	v11 =	vsel vm7, $0xB, v11;
	v12 =	vsel vm7, $0xC, v12  }
0xf: {  	v13 =	vsel vm7, $0xD, v13;
	v14 =	vsel vm7, $0xE, v14;
	v15 =	vsel vm7, $0xF, v15  }
0x10: {  	v16 =	vsel vm7, $0x10, v16;
	v17 =	vsel vm7, $0x11, v17;
	v18 =	vsel vm7, $0x12, v18  }
0x11: {  	v19 =	vsel vm7, $0x13, v19;
	v0 =	vsel vm6, $0x80, v0;
	v1 =	vsel vm6, $0x81, v1  }
0x12: {  	v2 =	vsel vm6, $0x82, v2;
	v3 =	vsel vm6, $0x83, v3;
	v4 =	vsel vm6, $0x84, v4  }
0x13: {  	v5 =	vsel vm6, $0x85, v5;
	v6 =	vsel vm6, $0x86, v6;
	v7 =	vsel vm6, $0x87, v7  }
0x14: {  	v8 =	vsel vm6, $0x88, v8;
	v9 =	vsel vm6, $0x89, v9;
	v10 =	vsel vm6, $0x8A, v10  }
0x15: {  	v11 =	vsel vm6, $0x8B, v11;
	v12 =	vsel vm6, $0x8C, v12;
	v13 =	vsel vm6, $0x8D, v13  }
0x16: {  	v14 =	vsel vm6, $0x8E, v14;
	v15 =	vsel vm6, $0x8F, v15;
	v16 =	vsel vm6, $0x90, v16  }
0x17: {  	v17 =	vsel vm6, $0x91, v17;
	v18 =	vsel vm6, $0x92, v18;
	v19 =	vsel vm6, $0x93, v19  }
0x18: {  	v0 =	vsel vm5, $0x100, v0;
	v1 =	vsel vm5, $0x101, v1;
	v2 =	vsel vm5, $0x102, v2  }
0x19: {  	v3 =	vsel vm5, $0x103, v3;
	v4 =	vsel vm5, $0x104, v4;
	v5 =	vsel vm5, $0x105, v5  }
0x1a: {  	v6 =	vsel vm5, $0x106, v6;
	v7 =	vsel vm5, $0x107, v7;
	v8 =	vsel vm5, $0x108, v8  }
0x1b: {  	v9 =	vsel vm5, $0x109, v9;
	v10 =	vsel vm5, $0x10A, v10;
	v11 =	vsel vm5, $0x10B, v11  }
0x1c: {  	v12 =	vsel vm5, $0x10C, v12;
	v13 =	vsel vm5, $0x10D, v13;
	v14 =	vsel vm5, $0x10E, v14  }
0x1d: {  	v15 =	vsel vm5, $0x10F, v15;
	v16 =	vsel vm5, $0x110, v16;
	v17 =	vsel vm5, $0x111, v17  }
0x1e: {  	v18 =	vsel vm5, $0x112, v18;
	v19 =	vsel vm5, $0x113, v19;
	v0 =	vsel vm4, $0x180, v0  }
0x1f: {  	v1 =	vsel vm4, $0x181, v1;
	v2 =	vsel vm4, $0x182, v2;
	v3 =	vsel vm4, $0x183, v3  }
0x20: {  	v4 =	vsel vm4, $0x184, v4;
	v5 =	vsel vm4, $0x185, v5;
	v6 =	vsel vm4, $0x186, v6  }
0x21: {  	v7 =	vsel vm4, $0x187, v7;
	v8 =	vsel vm4, $0x188, v8;
	v9 =	vsel vm4, $0x189, v9  }
0x22: {  	v10 =	vsel vm4, $0x18A, v10;
	v11 =	vsel vm4, $0x18B, v11;
	v12 =	vsel vm4, $0x18C, v12  }
0x23: {  	v13 =	vsel vm4, $0x18D, v13;
	v14 =	vsel vm4, $0x18E, v14;
	v15 =	vsel vm4, $0x18F, v15  }
0x24: {  	v16 =	vsel vm4, $0x190, v16;
	v17 =	vsel vm4, $0x191, v17;
	v18 =	vsel vm4, $0x192, v18  }
0x25: {  	v19 =	vsel vm4, $0x193, v19;
	v0 =	vsel vm3, $0x200, v0;
	v1 =	vsel vm3, $0x201, v1  }
0x26: {  	v2 =	vsel vm3, $0x202, v2;
	v3 =	vsel vm3, $0x203, v3;
	v4 =	vsel vm3, $0x204, v4  }
0x27: {  	v5 =	vsel vm3, $0x205, v5;
	v6 =	vsel vm3, $0x206, v6;
	v7 =	vsel vm3, $0x207, v7  }
0x28: {  	v8 =	vsel vm3, $0x208, v8;
	v9 =	vsel vm3, $0x209, v9;
	v10 =	vsel vm3, $0x20A, v10  }
0x29: {  	v11 =	vsel vm3, $0x20B, v11;
	v12 =	vsel vm3, $0x20C, v12;
	v13 =	vsel vm3, $0x20D, v13  }
0x2a: {  	v14 =	vsel vm3, $0x20E, v14;
	v15 =	vsel vm3, $0x20F, v15;
	v16 =	vsel vm3, $0x210, v16  }
0x2b: {  	v17 =	vsel vm3, $0x211, v17;
	v18 =	vsel vm3, $0x212, v18;
	v19 =	vsel vm3, $0x213, v19  }
0x2c: {  	v0 =	vsel vm1, $0x280, v0;
	v1 =	vsel vm1, $0x281, v1;
	v2 =	vsel vm1, $0x282, v2  }
0x2d: {  	v3 =	vsel vm1, $0x283, v3;
	v4 =	vsel vm1, $0x284, v4;
	v5 =	vsel vm1, $0x285, v5  }
0x2e: {  	v6 =	vsel vm1, $0x286, v6;
	v7 =	vsel vm1, $0x287, v7;
	v8 =	vsel vm1, $0x288, v8  }
0x2f: {  	v9 =	vsel vm1, $0x289, v9;
	v10 =	vsel vm1, $0x28A, v10;
	v11 =	vsel vm1, $0x28B, v11  }
0x30: {  	v12 =	vsel vm1, $0x28C, v12;
	v13 =	vsel vm1, $0x28D, v13;
	v14 =	vsel vm1, $0x28E, v14  }
0x31: {  	v15 =	vsel vm1, $0x28F, v15;
	v16 =	vsel vm1, $0x290, v16;
	v17 =	vsel vm1, $0x291, v17  }
0x32: {  	v18 =	vsel vm1, $0x292, v18;
	v19 =	vsel vm1, $0x293, v19;
	v0 =	vsel vm2, $0x300, v0  }
0x33: {  	v1 =	vsel vm2, $0x301, v1;
	v2 =	vsel vm2, $0x302, v2;
	v3 =	vsel vm2, $0x303, v3  }
0x34: {  	v4 =	vsel vm2, $0x304, v4;
	v5 =	vsel vm2, $0x305, v5;
	v6 =	vsel vm2, $0x306, v6  }
0x35: {  	s4 =	rddreg [dreg:$0x0];
	v7 =	vsel vm2, $0x307, v7;
	v8 =	vsel vm2, $0x308, v8;
	v9 =	vsel vm2, $0x309, v9  }
0x36: {  	s0 =	rddreg [dreg:$0x1];
	v10 =	vsel vm2, $0x30A, v10;
	v11 =	vsel vm2, $0x30B, v11;
	v12 =	vsel vm2, $0x30C, v12  }
0x37: {  	s5 =	rddreg [dreg:$0x2];
	s3 =	srdreg.scid;
	v13 =	vsel vm2, $0x30D, v13;
	v14 =	vsel vm2, $0x30E, v14;
	v15 =	vsel vm2, $0x30F, v15  }
0x38: {  	s1 =	rddreg [dreg:$0x3];
	s2 =	stileid.u32;
	s10 =	simm.s32 $0x1000;
	v16 =	vsel vm2, $0x310, v16;
	v17 =	vsel vm2, $0x311, v17;
	v18 =	vsel vm2, $0x312, v18  }
0x39: {  	s11 =	simm.s32 $0x20000;
	s12 =	simm.s32 $0xA00;
	s13 =	simm.s32 $0x3;
	v19 =	vsel vm2, $0x313, v19;
	v0 =	vsel vm0, $0x380, v0;
	v1 =	vsel vm0, $0x381, v1  }
0x3a: {  	s14 =	simm.s32 $0x0;
	s6 =	sand.u32 $0x1, s3;
	s3 =	simm.s32 $0x0;
	v2 =	vsel vm0, $0x382, v2;
	v3 =	vsel vm0, $0x383, v3;
	v4 =	vsel vm0, $0x384, v4  }
0x3b: {  	s7 =	sshll.u32 s2, $0xA;
	s8 =	sshll.u32 s6, $0x9;
	[smem:$0x7FF] =	sst s3;
	v5 =	vsel vm0, $0x385, v5;
	v6 =	vsel vm0, $0x386, v6;
	v7 =	vsel vm0, $0x387, v7  }
0x3c: {  	s6 =	ssub.s32 $0x2, s6;
	s7 =	sor.u32 s8, s7;
	_ =	strace $0x80000047;
	v8 =	vsel vm0, $0x388, v8;
	v9 =	vsel vm0, $0x389, v9;
	v10 =	vsel vm0, $0x38A, v10  }
0x3d: {  	s31 =	sshrl.u32 s6, $0x1;
	s8 =	simm.s32 $0x2;
	s9 =	sshrl.u32 s7, $0x3;
	v11 =	vsel vm0, $0x38B, v11;
	v12 =	vsel vm0, $0x38C, v12;
	v13 =	vsel vm0, $0x38D, v13  }
0x3e: {  	s6 =	ssub.s32 s6, s31;
	s5 =	sadd.s32 s5, s7;
	s7 =	simm.s32 $0x200;
	v14 =	vsel vm0, $0x38E, v14;
	v15 =	vsel vm0, $0x38F, v15;
	v16 =	vsel vm0, $0x390, v16  }
0x3f: {  	s4 =	sadd.s32 s4, s9;
	s6 =	smax.u32 s6, $0x1;
	s9 =	simm.s32 $0x1;
	v17 =	vsel vm0, $0x391, v17;
	v18 =	vsel vm0, $0x392, v18;
	v19 =	vsel vm0, $0x393, v19  }
.LBB2_1:
0x40: {  	[tilespmem:s3], [sflag:$0x1] =	stream.linear.gather [hbm4b:s4+s3], $0x200, $0x38;
	[tilespmem:$0x3A00] =	vst v63  }
0x41: {  	_ = 	snop  }
0x42: {  	[tilespmem:s7], [sflag:$0x2] =	stream.linear.gather [hbm4b:s0+s3], $0x480, $0x38;
	[tilespmem:$0x3A00] =	vst v63  }
0x43: {  	_ =	swait.ge [sflag:s8], $0x480  }
0x44: {  	[sflag:s8] =	ssyncset.done $0x0  }
0x45: {  	[sflag:s8] =	ssyncadd.s32 $0xFFFFFB80  }
0x46: {  	v39 =	vld.idx.msk [tilespmem:v0+s7+$0x0], $0xffff  }
0x47: {  	v37 =	vld.idx.msk [tilespmem:v1+s7+$0x0], $0xffff  }
0x48: {  	v36 =	vld.idx.msk [tilespmem:v2+s7+$0x0], $0xffff  }
0x49: {  	v35 =	vld.idx.msk [tilespmem:v3+s7+$0x0], $0xffff  }
0x4a: {  	v34 =	vld.idx.msk [tilespmem:v4+s7+$0x0], $0xffff  }
0x4b: {  	v33 =	vld.idx.msk [tilespmem:v5+s7+$0x0], $0xffff  }
0x4c: {  	v32 =	vld.idx.msk [tilespmem:v6+s7+$0x0], $0xffff  }
0x4d: {  	v31 =	vld.idx.msk [tilespmem:v7+s7+$0x0], $0xffff  }
0x4e: {  	v30 =	vld.idx.msk [tilespmem:v8+s7+$0x0], $0xffff  }
0x4f: {  	v29 =	vld.idx.msk [tilespmem:v9+s7+$0x0], $0xffff  }
0x50: {  	v28 =	vld.idx.msk [tilespmem:v10+s7+$0x0], $0xffff  }
0x51: {  	v27 =	vld.idx.msk [tilespmem:v11+s7+$0x0], $0xffff  }
0x52: {  	v26 =	vld.idx.msk [tilespmem:v12+s7+$0x0], $0xffff  }
0x53: {  	v25 =	vld.idx.msk [tilespmem:v13+s7+$0x0], $0xffff  }
0x54: {  	v24 =	vld.idx.msk [tilespmem:v14+s7+$0x0], $0xffff  }
0x55: {  	v23 =	vld.idx.msk [tilespmem:v15+s7+$0x0], $0xffff  }
0x56: {  	v22 =	vld.idx.msk [tilespmem:v16+s7+$0x0], $0xffff  }
0x57: {  	v21 =	vld.idx.msk [tilespmem:v17+s7+$0x0], $0xffff  }
0x58: {  	v20 =	vld.idx.msk [tilespmem:v18+s7+$0x0], $0xffff  }
0x59: {  	v38 =	vld.idx.msk [tilespmem:v19+s7+$0x0], $0xffff;
	_ =	swait.ge [sflag:s9], $0x200  }
0x5a: {  	[sflag:s9] =	ssyncset.done $0x0  }
0x5b: {  	[sflag:s9] =	ssyncadd.s32 $0xFFFFFE00  }
0x5c: {  	v40 =	vld [tilespmem:s3+$0x0];
	_ =	sdelay $0x4  }
0x5d: {  	v41 =	vadd.s32 $0xFFFFFFFF, v40  }
0x5e: {  	v42 =	vcvt.s32.f32 v41;
	_ =	sdelay $0x1  }
0x5f: {  	vm0 =	vgt.s32 v41, $0x0;
	v42 =	vshrl.u32 v42, $0x17  }
0x60: {  	v41 =	vnsel vm0, $0x0, v41;
	v42 =	vmin.u32 v42, $0x85  }
0x61: {  	vm0 =	vgt.s32 v40, $0x4;
	v41 =	vmin.u32 v41, $0x3;
	v42 =	vadd.s32 $0xFFFFFF83, v42  }
0x62: {  	v41 =	vsel vm0, v42, v41  }
0x63: {  	s15 =	sand.u32 $0x70, s3;
	s16 =	sand.u32 $0xC00, s3;
	v55 =	vperm.xlane v39, v41  }
0x64: {  	s15 =	sor.u32 s15, s16;
	v42 =	vperm.xlane v37, v41  }
0x65: {  	v56 =	vperm.xlane v36, v41;
	[tilespmem:s15+$0xA00] =	vst v55  }
0x66: {  	v57 =	vperm.xlane v35, v41;
	[tilespmem:s15+$0xA80] =	vst v42  }
0x67: {  	v58 =	vperm.xlane v34, v41;
	[tilespmem:s15+$0xB00] =	vst v56  }
0x68: {  	v59 =	vperm.xlane v33, v41;
	[tilespmem:s15+$0xB80] =	vst v57  }
0x69: {  	v43 =	vperm.xlane v32, v41;
	[tilespmem:s15+$0xC00] =	vst v58  }
0x6a: {  	s17 =	sor.u32 s3, s3;
	s16 =	simm.s32 $0x10;
	v60 =	vperm.xlane v31, v41;
	[tilespmem:s15+$0xC80] =	vst v59  }
0x6b: {  	s17 =	sor.u32 $0x380, s17;
	v40 =	vld [tilespmem:s16+$0x0];
	v61 =	vperm.xlane v38, v41;
	[tilespmem:s15+$0xD00] =	vst v43  }
0x6c: {  	v44 =	vperm.xlane v30, v41;
	[tilespmem:s17+$0xA00] =	vst v60  }
0x6d: {  	v62 =	vperm.xlane v29, v41;
	[tilespmem:s15+$0x2B80] =	vst v61  }
0x6e: {  	v63 =	vperm.xlane v28, v41;
	[tilespmem:s15+$0x1A00] =	vst v44  }
0x6f: {  	v45 =	vperm.xlane v27, v41;
	[tilespmem:s15+$0x1A80] =	vst v62  }
0x70: {  	v47 =	vperm.xlane v26, v41;
	v48 =	vperm.xlane v25, v41;
	v46 =	vadd.s32 $0xFFFFFFFF, v40;
	[tilespmem:s15+$0x1B00] =	vst v63  }
0x71: {  	v49 =	vcvt.s32.f32 v46;
	v43 =	vperm.xlane v23, v41;
	[tilespmem:s15+$0x1B80] =	vst v45  }
0x72: {  	vm0 =	vgt.s32 v46, $0x0;
	v42 =	vperm.xlane v21, v41;
	v44 =	vperm.xlane v24, v41;
	[tilespmem:s15+$0x1C00] =	vst v47  }
0x73: {  	s18 =	simm.s32 $0x20;
	s19 =	simm.s32 $0x10;
	s17 =	simm.s32 $0x0;
	v45 =	vperm.xlane v22, v41;
	v41 =	vperm.xlane v20, v41;
	v47 =	vshrl.u32 v49, $0x17;
	[tilespmem:s15+$0x1C80] =	vst v48  }
.LBB2_2:
0x74: {  	p0 =	sne.s32 s18, $0x1F0;
	v46 =	vnsel vm0, $0x0, v46;
	v47 =	vmin.u32 v47, $0x85;
	[tilespmem:s15+$0x1D00] =	vst v44  }
0x75: {  	vm0 =	vgt.s32 v40, $0x4;
	v44 =	vmin.u32 v46, $0x3;
	v46 =	vadd.s32 $0xFFFFFF83, v47;
	[tilespmem:s15+$0x1D80] =	vst v43  }
0x76: {  	s17 =	sadd.s32 $0x80, s17;
	v46 =	vsel vm0, v46, v44;
	[tilespmem:s15+$0x2A00] =	vst v45  }
0x77: {  	s20 =	sand.u32 $0x70, s16;
	s21 =	sand.u32 $0xC00, s17;
	v40 =	vperm.xlane v39, v46;
	v47 =	vperm.xlane v30, v46;
	[tilespmem:s15+$0x2A80] =	vst v42  }
0x78: {  	v42 =	vperm.xlane v37, v46;
	v48 =	vperm.xlane v29, v46;
	[tilespmem:s15+$0x2B00] =	vst v41;
	s15 =	sor.u32 s20, s21  }
0x79: {  	v49 =	vperm.xlane v28, v46;
	[tilespmem:s15+$0xA00] =	vst v40;
	v40 =	vperm.xlane v36, v46  }
0x7a: {  	v50 =	vperm.xlane v27, v46;
	v41 =	vperm.xlane v35, v46;
	[tilespmem:s15+$0xA80] =	vst v42  }
0x7b: {  	v51 =	vperm.xlane v26, v46;
	[tilespmem:s15+$0xB00] =	vst v40;
	v40 =	vperm.xlane v34, v46  }
0x7c: {  	v52 =	vperm.xlane v25, v46;
	[tilespmem:s15+$0xB80] =	vst v41;
	v41 =	vperm.xlane v33, v46  }
0x7d: {  	v44 =	vperm.xlane v24, v46;
	v42 =	vperm.xlane v32, v46;
	[tilespmem:s15+$0xC00] =	vst v40  }
0x7e: {  	s19 =	sadd.s32 $0x10, s19;
	v43 =	vperm.xlane v23, v46;
	s20 =	sor.u32 s17, s16;
	s16 =	smov.u32 s18;
	[tilespmem:s15+$0xC80] =	vst v41;
	v41 =	vperm.xlane v31, v46  }
0x7f: {  	v45 =	vperm.xlane v22, v46;
	v53 =	vperm.xlane v38, v46;
	s20 =	sor.u32 $0x380, s20;
	v40 =	vld [tilespmem:s19+$0x0];
	[tilespmem:s15+$0xD00] =	vst v42  }
0x80: {  	v42 =	vperm.xlane v21, v46;
	[tilespmem:s20+$0xA00] =	vst v41;
	v41 =	vperm.xlane v20, v46  }
0x81: {  	[tilespmem:s15+$0x2B80] =	vst v53  }
0x82: {  	[tilespmem:s15+$0x1A00] =	vst v47  }
.Ltmp0:
0x83: {  	[tilespmem:s15+$0x1A80] =	vst v48;
	(pc) =	sbr.rel @p0 .LBB2_2-.Ltmp0, $4  }
0x84: {  	v46 =	vadd.s32 $0xFFFFFFFF, v40;
	[tilespmem:s15+$0x1B00] =	vst v49  }
0x85: {  	v47 =	vcvt.s32.f32 v46;
	[tilespmem:s15+$0x1B80] =	vst v50  }
0x86: {  	[tilespmem:s15+$0x1C00] =	vst v51  }
0x87: {  	s18 =	sadd.s32 $0x10, s18;
	vm0 =	vgt.s32 v46, $0x0;
	v47 =	vshrl.u32 v47, $0x17;
	[tilespmem:s15+$0x1C80] =	vst v52  }
0x88: {  	v46 =	vnsel vm0, $0x0, v46;
	v47 =	vmin.u32 v47, $0x85;
	[tilespmem:s15+$0x1D00] =	vst v44  }
0x89: {  	vm15 =	vgt.s32 v40, $0x4;
	[tilespmem:s15+$0x1D80] =	vst v43;
	v61 =	vmin.u32 v46, $0x3;
	v62 =	vadd.s32 $0xFFFFFF83, v47  }
0x8a: {  	[tilespmem:s15+$0x2A00] =	vst v45;
	s17 =	sadd.s32 $0x80, s17;
	v40 =	vsel vm15, v62, v61  }
0x8b: {  	s18 =	sand.u32 $0x70, s16;
	[tilespmem:s15+$0x2A80] =	vst v42;
	s19 =	sand.u32 $0xC00, s17;
	v39 =	vperm.xlane v39, v40  }
0x8c: {  	[tilespmem:s15+$0x2B00] =	vst v41;
	s18 =	sor.u32 s18, s19;
	v37 =	vperm.xlane v37, v40  }
0x8d: {  	v36 =	vperm.xlane v36, v40;
	[tilespmem:s18+$0xA00] =	vst v39  }
0x8e: {  	v35 =	vperm.xlane v35, v40;
	[tilespmem:s18+$0xA80] =	vst v37  }
0x8f: {  	v34 =	vperm.xlane v34, v40;
	[tilespmem:s18+$0xB00] =	vst v36  }
0x90: {  	v33 =	vperm.xlane v33, v40;
	[tilespmem:s18+$0xB80] =	vst v35  }
0x91: {  	v32 =	vperm.xlane v32, v40;
	[tilespmem:s18+$0xC00] =	vst v34  }
0x92: {  	s31 =	sor.u32 s17, s16;
	v31 =	vperm.xlane v31, v40;
	[tilespmem:s18+$0xC80] =	vst v33  }
0x93: {  	s15 =	sor.u32 $0x380, s31;
	v63 =	vperm.xlane v38, v40;
	[tilespmem:s18+$0xD00] =	vst v32  }
0x94: {  	v30 =	vperm.xlane v30, v40;
	[tilespmem:s15+$0xA00] =	vst v31  }
0x95: {  	v29 =	vperm.xlane v29, v40;
	[tilespmem:s18+$0x2B80] =	vst v63  }
0x96: {  	v28 =	vperm.xlane v28, v40;
	[tilespmem:s18+$0x1A00] =	vst v30  }
0x97: {  	v27 =	vperm.xlane v27, v40;
	[tilespmem:s18+$0x1A80] =	vst v29  }
0x98: {  	v26 =	vperm.xlane v26, v40;
	[tilespmem:s18+$0x1B00] =	vst v28  }
0x99: {  	v25 =	vperm.xlane v25, v40;
	[tilespmem:s18+$0x1B80] =	vst v27  }
0x9a: {  	v24 =	vperm.xlane v24, v40;
	[tilespmem:s18+$0x1C00] =	vst v26  }
0x9b: {  	v23 =	vperm.xlane v23, v40;
	[tilespmem:s18+$0x1C80] =	vst v25  }
0x9c: {  	v22 =	vperm.xlane v22, v40;
	[tilespmem:s18+$0x1D00] =	vst v24  }
0x9d: {  	v21 =	vperm.xlane v21, v40;
	[tilespmem:s18+$0x1D80] =	vst v23  }
0x9e: {  	s14 =	sadd.s32 $0x1, s14;
	v20 =	vperm.xlane v20, v40;
	[tilespmem:s18+$0x2A00] =	vst v22  }
0x9f: {  	p0 =	sne.s32 s14, s6;
	[tilespmem:s18+$0x2A80] =	vst v21  }
.Ltmp1:
0xa0: {  	[tilespmem:s18+$0x2B00] =	vst v20;
	(pc) =	sbr.rel @p0 .LBB2_1-.Ltmp1, $4  }
0xa1: {  	[hbm4b:s5+s10] =	stream.strided.scatter [tilespmem:s12], [sflag:$0x3], $0x3000, s11, s10, $0x38;
	[tilespmem:$0x3A00] =	vst v63  }
0xa2: {  	_ =	swait.ge [sflag:s13], $0x3000  }
0xa3: {  	[sflag:s13] =	ssyncset.done $0x0  }
0xa4: {  	[sflag:s13] =	ssyncadd.s32 $0xFFFFD000  }
0xa5: {  	_ =	sfence.sel $0x180000  }
0xa6: {  	[bflag:$0x0] =	sbarrier.arrive $0xFFFF  }
0xa7: {  	p0 =	sne.s32 s2, $0x0;
	_ =	strace $0x90000047  }
0xa8: {  	s0 =	sadd.s32 @!p0 $0x100000, s1;
	[bflag:$0x2] =	sbarrier.arrive $0xFFFF  }
0xa9: {  	[sflag:s0] =	ssyncadd.tile.s32 @!p0 $0x1;
	_ =	shalt  }
.Lfunc_end2:
_tile_overlayer_lowered:
.L_overlay_start_2:
0xaa: {  	(tag) =	ssettag $0x2  }
0xab: {  	s0 =	rddreg [dreg:$0x0];
	s2 =	stileid.u32  }
0xac: {  	s1 =	rddreg [dreg:$0x1];
	p0 =	sne.s32 s2, $0x0  }
0xad: {  	s3 =	rddreg [dreg:$0x2];
	[bflag:$0x3] =	sbarrier.arrive $0xFFFF;
	s2 =	simm.s32 @!p0 $0x1C03  }
0xae: {  	[timem:s3], [sflag:s2] =	dma.local @!p0 [hbm:s0], s1  }
0xaf: {  	s0 =	simm.s32 @!p0 $0x3  }
0xb0: {  	_ =	swait.ge @!p0 [sflag:s0], s1  }
0xb1: {  	s1 =	ssub.s32 @!p0 $0x0, s1;
	[sflag:s0] =	ssyncset.done @!p0 $0x0  }
0xb2: {  	[sflag:s0] =	ssyncadd.s32 @!p0 s1  }
0xb3: {  	[bflag:$0x3] =	sbarrier.arrive $0xFFFF  }
0xb4: {  	_ =	shalt  }

</sc_bundles>
